<compile_context>
chip_gen: v7x
topology: tpu7x:2x2x1
jax: 0.10.2.dev20260603
libtpu: 0.0.44.dev20260713+nightly
codegen_flags: <defaults>
</compile_context>

<pallas_src>
import functools

import jax
import jax.numpy as jnp
from jax import lax
from jax.experimental import pallas as pl
from jax.experimental.pallas import tpu as pltpu
from jax.experimental.pallas import tpu_sc as plsc

IN_TOKENS_K = 20
VOCAB_K = 100000
EMB_K = 32
BATCH_K = 1024
FAN_IN = IN_TOKENS_K * EMB_K

TN = 2048
NT = (VOCAB_K + TN - 1) // TN

_SC_NW = 32
_SC_CHUNK = 128
_B_TOTAL = BATCH_K * IN_TOKENS_K
_B_PER_W = _B_TOTAL // _SC_NW
_NCHUNK = _B_PER_W // _SC_CHUNK


def _sc_gather(table, idx3d):
    mesh = plsc.VectorSubcoreMesh(core_axis_name="c", subcore_axis_name="s")

    @functools.partial(
        pl.kernel,
        mesh=mesh,
        out_type=jax.ShapeDtypeStruct((_B_TOTAL, EMB_K), jnp.float32),
        scratch_types=[
            pltpu.VMEM((_NCHUNK, _SC_CHUNK), jnp.int32),
            pltpu.VMEM((_B_PER_W, EMB_K), jnp.float32),
            pltpu.SemaphoreType.DMA,
        ],
        compiler_params=pltpu.CompilerParams(use_tc_tiling_on_sc=False),
    )
    def k(table_hbm, idx_hbm, out_hbm, idx_v, rows_v, sem):
        wid = lax.axis_index("s") * 2 + lax.axis_index("c")
        pltpu.sync_copy(idx_hbm.at[wid], idx_v)
        for j in range(_NCHUNK):
            pltpu.async_copy(
                table_hbm.at[idx_v.at[j]],
                rows_v.at[pl.ds(j * _SC_CHUNK, _SC_CHUNK)],
                sem,
            ).wait()
        pltpu.sync_copy(rows_v, out_hbm.at[pl.ds(wid * _B_PER_W, _B_PER_W)])

    return k(table, idx3d)


def _mm_exp_body(a_ref, w_ref, b_ref, e_ref, s_ref, at_ref, acc_ref):
    pid = pl.program_id(0)

    @pl.when(pid == 0)
    def _():
        at_ref[...] = jnp.tanh(a_ref[...])
        acc_ref[...] = jnp.zeros_like(acc_ref)

    logits = jnp.dot(at_ref[...], w_ref[...], preferred_element_type=jnp.float32)
    logits = logits + b_ref[...]
    col = pid * TN + lax.broadcasted_iota(jnp.int32, (1, TN), 1)
    e = jnp.exp(logits)
    e = jnp.where(col < VOCAB_K, e, 0.0)
    e_ref[...] = e
    acc_ref[...] += jnp.sum(e, axis=1, keepdims=True)

    @pl.when(pid == NT - 1)
    def _():
        s_ref[...] = acc_ref[...]


def _norm_body(e_ref, s_ref, o_ref):
    o_ref[...] = e_ref[...] * (1.0 / s_ref[...])


def kernel(x, emb_table, W, b):
    flat_idx = x.reshape(-1).astype(jnp.int32)
    idx3d = flat_idx.reshape(_SC_NW, _NCHUNK, _SC_CHUNK)
    rows = _sc_gather(emb_table, idx3d)
    a = rows.reshape(BATCH_K, FAN_IN)
    b2 = b.reshape(1, VOCAB_K)

    e, s = pl.pallas_call(
        _mm_exp_body,
        grid=(NT,),
        in_specs=[
            pl.BlockSpec((BATCH_K, FAN_IN), lambda i: (0, 0)),
            pl.BlockSpec((FAN_IN, TN), lambda i: (0, i)),
            pl.BlockSpec((1, TN), lambda i: (0, i)),
        ],
        out_specs=[
            pl.BlockSpec((BATCH_K, TN), lambda i: (0, i)),
            pl.BlockSpec((BATCH_K, 1), lambda i: (0, 0)),
        ],
        out_shape=[
            jax.ShapeDtypeStruct((BATCH_K, VOCAB_K), jnp.float32),
            jax.ShapeDtypeStruct((BATCH_K, 1), jnp.float32),
        ],
        scratch_shapes=[
            pltpu.VMEM((BATCH_K, FAN_IN), jnp.float32),
            pltpu.VMEM((BATCH_K, 1), jnp.float32),
        ],
        compiler_params=pltpu.CompilerParams(
            dimension_semantics=("arbitrary",),
        ),
    )(a, W, b2)

    out = pl.pallas_call(
        _norm_body,
        grid=(NT,),
        in_specs=[
            pl.BlockSpec((BATCH_K, TN), lambda i: (0, i)),
            pl.BlockSpec((BATCH_K, 1), lambda i: (0, 0)),
        ],
        out_specs=pl.BlockSpec((BATCH_K, TN), lambda i: (0, i)),
        out_shape=jax.ShapeDtypeStruct((BATCH_K, VOCAB_K), jnp.float32),
        input_output_aliases={0: 0},
        compiler_params=pltpu.CompilerParams(
            dimension_semantics=("arbitrary",),
        ),
    )(e, s)
    return out

# --- scband reference (transcript-rebuilt; emitter-appended) ---
"""Pipeline reference for scband-language-model-12317966205596 (READ-ONLY COPY).

The authoritative reference and input builder live on the scoring server;
editing this copy changes nothing except your own understanding.
"""

import jax, jax.numpy as jnp
import numpy as np

IN_TOKENS = 20
VOCAB = 100000
EMB = 32
BATCH = 1024

def setup_inputs(seed: int = 0) -> dict:
    key = jax.random.key(seed)
    k_x, k_emb, k_w, k_b = jax.random.split(key, 4)
    x = jax.random.randint(k_x, (BATCH, IN_TOKENS), 0, VOCAB, dtype=jnp.int64 if jax.config.read('jax_enable_x64') else jnp.int32)
    # learned params
    emb_table = jax.random.normal(k_emb, (VOCAB, EMB), dtype=jnp.float32)  # torch Embedding default N(0,1)
    fan_in = IN_TOKENS * EMB
    bound = 1.0 / np.sqrt(fan_in)
    W = jax.random.uniform(k_w, (fan_in, VOCAB), dtype=jnp.float32, minval=-bound, maxval=bound)
    b = jax.random.uniform(k_b, (VOCAB,), dtype=jnp.float32, minval=-bound, maxval=bound)
    return {"x": x, "emb_table": emb_table, "W": W, "b": b}

def reference(x, emb_table, W, b):
    # embedding lookup (gather)
    e = jnp.take(emb_table, x, axis=0)                 # [B, T, E]
    flat = e.reshape(e.shape[:-2] + (IN_TOKENS * EMB,))  # [B, T*E]
    a = jnp.tanh(flat)
    logits = a @ W + b                                  # [B, VOCAB]
    return jax.nn.softmax(logits, axis=-1)

if __name__ == "__main__":
    import jax
    _d = setup_inputs()
    print(jax.jit(kernel)(*tuple(_d.values())))

</pallas_src>

<mosaic_0001>
#map = affine_map<(d0, d1) -> (0, 0)>
#map1 = affine_map<(d0, d1) -> (0, 0, 0)>
module attributes {stable_mosaic.version = 14 : i64} {
  func.func @k(%arg0: i32, %arg1: i32, %arg2: memref<100000x32xf32, #tpu.memory_space<hbm>>, %arg3: memref<32x5x128xi32, #tpu.memory_space<hbm>>, %arg4: memref<20480x32xf32, #tpu.memory_space<hbm>>, %arg5: memref<5x128xi32, #tpu.memory_space<vmem>>, %arg6: memref<640x32xf32, #tpu.memory_space<vmem>>, %arg7: memref<!tpu.dma_semaphore, #tpu.memory_space<semaphore_mem>>) attributes {dimension_semantics = [#tpu.dimension_semantics<core_parallel>, #tpu.dimension_semantics<subcore_parallel>], iteration_bounds = array<i64: 2, 16>, scalar_prefetch = 0 : i64, scratch_operands = 3 : i64, tpu.core_type = #tpu.core_type<sc_vector_subcore>, window_params = [{transform_indices = #map}, {transform_indices = #map1}, {transform_indices = #map}]} {
    %mul3A = arith.constant 2 : i32
    %mul3A_0 = arith.muli %arg1, %mul3A : i32
    %add3A = arith.addi %mul3A_0, %arg0 : i32
    "tpu.region"() ({
      %run_scoped3A = tpu.sem_alloc : memref<!tpu.dma_semaphore, #tpu.memory_space<semaphore_mem>>
      %dma_start3A_101 = arith.constant 0 : i32
      %dma_start3A_102 = arith.constant 0 : i32
      %dma_start3A_103 = tpu.memref_slice %arg3[%add3A, %dma_start3A_101, %dma_start3A_102] : memref<32x5x128xi32, #tpu.memory_space<hbm>> -> memref<1x5x128xi32, #tpu.memory_space<hbm>>
      %dma_start3A_104 = tpu.memref_squeeze %dma_start3A_103 : memref<1x5x128xi32, #tpu.memory_space<hbm>> -> memref<5x128xi32, #tpu.memory_space<hbm>>
      %dma_start3A_105 = arith.constant 0 : i32
      %dma_start3A_106 = arith.constant 0 : i32
      %dma_start3A_107 = tpu.memref_slice %arg3[%add3A, %dma_start3A_105, %dma_start3A_106] : memref<32x5x128xi32, #tpu.memory_space<hbm>> -> memref<1x5x128xi32, #tpu.memory_space<hbm>>
      %dma_start3A_108 = tpu.memref_squeeze %dma_start3A_107 : memref<1x5x128xi32, #tpu.memory_space<hbm>> -> memref<5x128xi32, #tpu.memory_space<hbm>>
      tpu.enqueue_dma source(%dma_start3A_108 : memref<5x128xi32, #tpu.memory_space<hbm>>) target(%arg5 : memref<5x128xi32, #tpu.memory_space<vmem>>) target_semaphore(%run_scoped3A : memref<!tpu.dma_semaphore, #tpu.memory_space<semaphore_mem>>)
      %dma_wait3A_109 = arith.constant 0 : i32
      %dma_wait3A_110 = arith.constant 0 : i32
      %dma_wait3A_111 = tpu.memref_slice %arg3[%add3A, %dma_wait3A_109, %dma_wait3A_110] : memref<32x5x128xi32, #tpu.memory_space<hbm>> -> memref<1x5x128xi32, #tpu.memory_space<hbm>>
      %dma_wait3A_112 = tpu.memref_squeeze %dma_wait3A_111 : memref<1x5x128xi32, #tpu.memory_space<hbm>> -> memref<5x128xi32, #tpu.memory_space<hbm>>
      %dma_wait3A_113 = arith.constant 0 : i32
      %dma_wait3A_114 = arith.constant 0 : i32
      %dma_wait3A_115 = tpu.memref_slice %arg3[%add3A, %dma_wait3A_113, %dma_wait3A_114] : memref<32x5x128xi32, #tpu.memory_space<hbm>> -> memref<1x5x128xi32, #tpu.memory_space<hbm>>
      %dma_wait3A_116 = tpu.memref_squeeze %dma_wait3A_115 : memref<1x5x128xi32, #tpu.memory_space<hbm>> -> memref<5x128xi32, #tpu.memory_space<hbm>>
      tpu.wait_dma2 semaphore(%run_scoped3A : memref<!tpu.dma_semaphore, #tpu.memory_space<semaphore_mem>>) src(%dma_wait3A_116 : memref<5x128xi32, #tpu.memory_space<hbm>>) dst(%arg5 : memref<5x128xi32, #tpu.memory_space<vmem>>)
      tpu.yield
    }) : () -> ()
    %dma_start3A = arith.constant 0 : i32
    %dma_start3A_1 = arith.constant 0 : i32
    %dma_start3A_2 = arith.constant 0 : i32
    %dma_start3A_3 = tpu.memref_slice %arg6[%dma_start3A_1, %dma_start3A_2] : memref<640x32xf32, #tpu.memory_space<vmem>> -> memref<128x32xf32, #tpu.memory_space<vmem>>
    %dma_start3A_4 = arith.constant 0 : i32
    %dma_start3A_5 = tpu.memref_slice %arg5[%dma_start3A, %dma_start3A_4] : memref<5x128xi32, #tpu.memory_space<vmem>> -> memref<1x128xi32, #tpu.memory_space<vmem>>
    %dma_start3A_6 = tpu.memref_squeeze %dma_start3A_5 : memref<1x128xi32, #tpu.memory_space<vmem>> -> memref<128xi32, #tpu.memory_space<vmem>>
    %dma_start3A_7 = arith.constant 0 : i32
    %dma_start3A_8 = arith.constant 0 : i32
    %dma_start3A_9 = tpu.memref_slice %arg2[%dma_start3A_7, %dma_start3A_8] : memref<100000x32xf32, #tpu.memory_space<hbm>> -> memref<100000x32xf32, #tpu.memory_space<hbm>>
    tpu.enqueue_indirect_dma source(%dma_start3A_9 : memref<100000x32xf32, #tpu.memory_space<hbm>>) target(%dma_start3A_3 : memref<128x32xf32, #tpu.memory_space<vmem>>) offsets(%dma_start3A_6 : memref<128xi32, #tpu.memory_space<vmem>>) semaphore(%arg7 : memref<!tpu.dma_semaphore, #tpu.memory_space<semaphore_mem>>)
    %dma_wait3A = arith.constant 0 : i32
    %dma_wait3A_10 = arith.constant 0 : i32
    %dma_wait3A_11 = arith.constant 0 : i32
    %dma_wait3A_12 = tpu.memref_slice %arg6[%dma_wait3A_10, %dma_wait3A_11] : memref<640x32xf32, #tpu.memory_space<vmem>> -> memref<128x32xf32, #tpu.memory_space<vmem>>
    %dma_wait3A_13 = arith.constant 0 : i32
    %dma_wait3A_14 = tpu.memref_slice %arg5[%dma_wait3A, %dma_wait3A_13] : memref<5x128xi32, #tpu.memory_space<vmem>> -> memref<1x128xi32, #tpu.memory_space<vmem>>
    %dma_wait3A_15 = tpu.memref_squeeze %dma_wait3A_14 : memref<1x128xi32, #tpu.memory_space<vmem>> -> memref<128xi32, #tpu.memory_space<vmem>>
    %dma_wait3A_16 = arith.constant 0 : i32
    %dma_wait3A_17 = arith.constant 0 : i32
    %dma_wait3A_18 = tpu.memref_slice %arg2[%dma_wait3A_16, %dma_wait3A_17] : memref<100000x32xf32, #tpu.memory_space<hbm>> -> memref<100000x32xf32, #tpu.memory_space<hbm>>
    tpu.wait_indirect_dma semaphore(%arg7 : memref<!tpu.dma_semaphore, #tpu.memory_space<semaphore_mem>>) src(%dma_wait3A_18 : memref<100000x32xf32, #tpu.memory_space<hbm>>) dst(%dma_wait3A_12 : memref<128x32xf32, #tpu.memory_space<vmem>>)
    %dma_start3A_19 = arith.constant 1 : i32
    %dma_start3A_20 = arith.constant 128 : i32
    %dma_start3A_21 = arith.constant 0 : i32
    %dma_start3A_22 = tpu.memref_slice %arg6[%dma_start3A_20, %dma_start3A_21] : memref<640x32xf32, #tpu.memory_space<vmem>> -> memref<128x32xf32, #tpu.memory_space<vmem>>
    %dma_start3A_23 = arith.constant 0 : i32
    %dma_start3A_24 = tpu.memref_slice %arg5[%dma_start3A_19, %dma_start3A_23] : memref<5x128xi32, #tpu.memory_space<vmem>> -> memref<1x128xi32, #tpu.memory_space<vmem>>
    %dma_start3A_25 = tpu.memref_squeeze %dma_start3A_24 : memref<1x128xi32, #tpu.memory_space<vmem>> -> memref<128xi32, #tpu.memory_space<vmem>>
    %dma_start3A_26 = arith.constant 0 : i32
    %dma_start3A_27 = arith.constant 0 : i32
    %dma_start3A_28 = tpu.memref_slice %arg2[%dma_start3A_26, %dma_start3A_27] : memref<100000x32xf32, #tpu.memory_space<hbm>> -> memref<100000x32xf32, #tpu.memory_space<hbm>>
    tpu.enqueue_indirect_dma source(%dma_start3A_28 : memref<100000x32xf32, #tpu.memory_space<hbm>>) target(%dma_start3A_22 : memref<128x32xf32, #tpu.memory_space<vmem>>) offsets(%dma_start3A_25 : memref<128xi32, #tpu.memory_space<vmem>>) semaphore(%arg7 : memref<!tpu.dma_semaphore, #tpu.memory_space<semaphore_mem>>)
    %dma_wait3A_29 = arith.constant 1 : i32
    %dma_wait3A_30 = arith.constant 128 : i32
    %dma_wait3A_31 = arith.constant 0 : i32
    %dma_wait3A_32 = tpu.memref_slice %arg6[%dma_wait3A_30, %dma_wait3A_31] : memref<640x32xf32, #tpu.memory_space<vmem>> -> memref<128x32xf32, #tpu.memory_space<vmem>>
    %dma_wait3A_33 = arith.constant 0 : i32
    %dma_wait3A_34 = tpu.memref_slice %arg5[%dma_wait3A_29, %dma_wait3A_33] : memref<5x128xi32, #tpu.memory_space<vmem>> -> memref<1x128xi32, #tpu.memory_space<vmem>>
    %dma_wait3A_35 = tpu.memref_squeeze %dma_wait3A_34 : memref<1x128xi32, #tpu.memory_space<vmem>> -> memref<128xi32, #tpu.memory_space<vmem>>
    %dma_wait3A_36 = arith.constant 0 : i32
    %dma_wait3A_37 = arith.constant 0 : i32
    %dma_wait3A_38 = tpu.memref_slice %arg2[%dma_wait3A_36, %dma_wait3A_37] : memref<100000x32xf32, #tpu.memory_space<hbm>> -> memref<100000x32xf32, #tpu.memory_space<hbm>>
    tpu.wait_indirect_dma semaphore(%arg7 : memref<!tpu.dma_semaphore, #tpu.memory_space<semaphore_mem>>) src(%dma_wait3A_38 : memref<100000x32xf32, #tpu.memory_space<hbm>>) dst(%dma_wait3A_32 : memref<128x32xf32, #tpu.memory_space<vmem>>)
    %dma_start3A_39 = arith.constant 2 : i32
    %dma_start3A_40 = arith.constant 256 : i32
    %dma_start3A_41 = arith.constant 0 : i32
    %dma_start3A_42 = tpu.memref_slice %arg6[%dma_start3A_40, %dma_start3A_41] : memref<640x32xf32, #tpu.memory_space<vmem>> -> memref<128x32xf32, #tpu.memory_space<vmem>>
    %dma_start3A_43 = arith.constant 0 : i32
    %dma_start3A_44 = tpu.memref_slice %arg5[%dma_start3A_39, %dma_start3A_43] : memref<5x128xi32, #tpu.memory_space<vmem>> -> memref<1x128xi32, #tpu.memory_space<vmem>>
    %dma_start3A_45 = tpu.memref_squeeze %dma_start3A_44 : memref<1x128xi32, #tpu.memory_space<vmem>> -> memref<128xi32, #tpu.memory_space<vmem>>
    %dma_start3A_46 = arith.constant 0 : i32
    %dma_start3A_47 = arith.constant 0 : i32
    %dma_start3A_48 = tpu.memref_slice %arg2[%dma_start3A_46, %dma_start3A_47] : memref<100000x32xf32, #tpu.memory_space<hbm>> -> memref<100000x32xf32, #tpu.memory_space<hbm>>
    tpu.enqueue_indirect_dma source(%dma_start3A_48 : memref<100000x32xf32, #tpu.memory_space<hbm>>) target(%dma_start3A_42 : memref<128x32xf32, #tpu.memory_space<vmem>>) offsets(%dma_start3A_45 : memref<128xi32, #tpu.memory_space<vmem>>) semaphore(%arg7 : memref<!tpu.dma_semaphore, #tpu.memory_space<semaphore_mem>>)
    %dma_wait3A_49 = arith.constant 2 : i32
    %dma_wait3A_50 = arith.constant 256 : i32
    %dma_wait3A_51 = arith.constant 0 : i32
    %dma_wait3A_52 = tpu.memref_slice %arg6[%dma_wait3A_50, %dma_wait3A_51] : memref<640x32xf32, #tpu.memory_space<vmem>> -> memref<128x32xf32, #tpu.memory_space<vmem>>
    %dma_wait3A_53 = arith.constant 0 : i32
    %dma_wait3A_54 = tpu.memref_slice %arg5[%dma_wait3A_49, %dma_wait3A_53] : memref<5x128xi32, #tpu.memory_space<vmem>> -> memref<1x128xi32, #tpu.memory_space<vmem>>
    %dma_wait3A_55 = tpu.memref_squeeze %dma_wait3A_54 : memref<1x128xi32, #tpu.memory_space<vmem>> -> memref<128xi32, #tpu.memory_space<vmem>>
    %dma_wait3A_56 = arith.constant 0 : i32
    %dma_wait3A_57 = arith.constant 0 : i32
    %dma_wait3A_58 = tpu.memref_slice %arg2[%dma_wait3A_56, %dma_wait3A_57] : memref<100000x32xf32, #tpu.memory_space<hbm>> -> memref<100000x32xf32, #tpu.memory_space<hbm>>
    tpu.wait_indirect_dma semaphore(%arg7 : memref<!tpu.dma_semaphore, #tpu.memory_space<semaphore_mem>>) src(%dma_wait3A_58 : memref<100000x32xf32, #tpu.memory_space<hbm>>) dst(%dma_wait3A_52 : memref<128x32xf32, #tpu.memory_space<vmem>>)
    %dma_start3A_59 = arith.constant 3 : i32
    %dma_start3A_60 = arith.constant 384 : i32
    %dma_start3A_61 = arith.constant 0 : i32
    %dma_start3A_62 = tpu.memref_slice %arg6[%dma_start3A_60, %dma_start3A_61] : memref<640x32xf32, #tpu.memory_space<vmem>> -> memref<128x32xf32, #tpu.memory_space<vmem>>
    %dma_start3A_63 = arith.constant 0 : i32
    %dma_start3A_64 = tpu.memref_slice %arg5[%dma_start3A_59, %dma_start3A_63] : memref<5x128xi32, #tpu.memory_space<vmem>> -> memref<1x128xi32, #tpu.memory_space<vmem>>
    %dma_start3A_65 = tpu.memref_squeeze %dma_start3A_64 : memref<1x128xi32, #tpu.memory_space<vmem>> -> memref<128xi32, #tpu.memory_space<vmem>>
    %dma_start3A_66 = arith.constant 0 : i32
    %dma_start3A_67 = arith.constant 0 : i32
    %dma_start3A_68 = tpu.memref_slice %arg2[%dma_start3A_66, %dma_start3A_67] : memref<100000x32xf32, #tpu.memory_space<hbm>> -> memref<100000x32xf32, #tpu.memory_space<hbm>>
    tpu.enqueue_indirect_dma source(%dma_start3A_68 : memref<100000x32xf32, #tpu.memory_space<hbm>>) target(%dma_start3A_62 : memref<128x32xf32, #tpu.memory_space<vmem>>) offsets(%dma_start3A_65 : memref<128xi32, #tpu.memory_space<vmem>>) semaphore(%arg7 : memref<!tpu.dma_semaphore, #tpu.memory_space<semaphore_mem>>)
    %dma_wait3A_69 = arith.constant 3 : i32
    %dma_wait3A_70 = arith.constant 384 : i32
    %dma_wait3A_71 = arith.constant 0 : i32
    %dma_wait3A_72 = tpu.memref_slice %arg6[%dma_wait3A_70, %dma_wait3A_71] : memref<640x32xf32, #tpu.memory_space<vmem>> -> memref<128x32xf32, #tpu.memory_space<vmem>>
    %dma_wait3A_73 = arith.constant 0 : i32
    %dma_wait3A_74 = tpu.memref_slice %arg5[%dma_wait3A_69, %dma_wait3A_73] : memref<5x128xi32, #tpu.memory_space<vmem>> -> memref<1x128xi32, #tpu.memory_space<vmem>>
    %dma_wait3A_75 = tpu.memref_squeeze %dma_wait3A_74 : memref<1x128xi32, #tpu.memory_space<vmem>> -> memref<128xi32, #tpu.memory_space<vmem>>
    %dma_wait3A_76 = arith.constant 0 : i32
    %dma_wait3A_77 = arith.constant 0 : i32
    %dma_wait3A_78 = tpu.memref_slice %arg2[%dma_wait3A_76, %dma_wait3A_77] : memref<100000x32xf32, #tpu.memory_space<hbm>> -> memref<100000x32xf32, #tpu.memory_space<hbm>>
    tpu.wait_indirect_dma semaphore(%arg7 : memref<!tpu.dma_semaphore, #tpu.memory_space<semaphore_mem>>) src(%dma_wait3A_78 : memref<100000x32xf32, #tpu.memory_space<hbm>>) dst(%dma_wait3A_72 : memref<128x32xf32, #tpu.memory_space<vmem>>)
    %dma_start3A_79 = arith.constant 4 : i32
    %dma_start3A_80 = arith.constant 512 : i32
    %dma_start3A_81 = arith.constant 0 : i32
    %dma_start3A_82 = tpu.memref_slice %arg6[%dma_start3A_80, %dma_start3A_81] : memref<640x32xf32, #tpu.memory_space<vmem>> -> memref<128x32xf32, #tpu.memory_space<vmem>>
    %dma_start3A_83 = arith.constant 0 : i32
    %dma_start3A_84 = tpu.memref_slice %arg5[%dma_start3A_79, %dma_start3A_83] : memref<5x128xi32, #tpu.memory_space<vmem>> -> memref<1x128xi32, #tpu.memory_space<vmem>>
    %dma_start3A_85 = tpu.memref_squeeze %dma_start3A_84 : memref<1x128xi32, #tpu.memory_space<vmem>> -> memref<128xi32, #tpu.memory_space<vmem>>
    %dma_start3A_86 = arith.constant 0 : i32
    %dma_start3A_87 = arith.constant 0 : i32
    %dma_start3A_88 = tpu.memref_slice %arg2[%dma_start3A_86, %dma_start3A_87] : memref<100000x32xf32, #tpu.memory_space<hbm>> -> memref<100000x32xf32, #tpu.memory_space<hbm>>
    tpu.enqueue_indirect_dma source(%dma_start3A_88 : memref<100000x32xf32, #tpu.memory_space<hbm>>) target(%dma_start3A_82 : memref<128x32xf32, #tpu.memory_space<vmem>>) offsets(%dma_start3A_85 : memref<128xi32, #tpu.memory_space<vmem>>) semaphore(%arg7 : memref<!tpu.dma_semaphore, #tpu.memory_space<semaphore_mem>>)
    %dma_wait3A_89 = arith.constant 4 : i32
    %dma_wait3A_90 = arith.constant 512 : i32
    %dma_wait3A_91 = arith.constant 0 : i32
    %dma_wait3A_92 = tpu.memref_slice %arg6[%dma_wait3A_90, %dma_wait3A_91] : memref<640x32xf32, #tpu.memory_space<vmem>> -> memref<128x32xf32, #tpu.memory_space<vmem>>
    %dma_wait3A_93 = arith.constant 0 : i32
    %dma_wait3A_94 = tpu.memref_slice %arg5[%dma_wait3A_89, %dma_wait3A_93] : memref<5x128xi32, #tpu.memory_space<vmem>> -> memref<1x128xi32, #tpu.memory_space<vmem>>
    %dma_wait3A_95 = tpu.memref_squeeze %dma_wait3A_94 : memref<1x128xi32, #tpu.memory_space<vmem>> -> memref<128xi32, #tpu.memory_space<vmem>>
    %dma_wait3A_96 = arith.constant 0 : i32
    %dma_wait3A_97 = arith.constant 0 : i32
    %dma_wait3A_98 = tpu.memref_slice %arg2[%dma_wait3A_96, %dma_wait3A_97] : memref<100000x32xf32, #tpu.memory_space<hbm>> -> memref<100000x32xf32, #tpu.memory_space<hbm>>
    tpu.wait_indirect_dma semaphore(%arg7 : memref<!tpu.dma_semaphore, #tpu.memory_space<semaphore_mem>>) src(%dma_wait3A_98 : memref<100000x32xf32, #tpu.memory_space<hbm>>) dst(%dma_wait3A_92 : memref<128x32xf32, #tpu.memory_space<vmem>>)
    %mul3A_99 = arith.constant 640 : i32
    %mul3A_100 = arith.muli %add3A, %mul3A_99 : i32
    "tpu.region"() ({
      %run_scoped3A = tpu.sem_alloc : memref<!tpu.dma_semaphore, #tpu.memory_space<semaphore_mem>>
      %dma_start3A_101 = arith.constant 0 : i32
      %dma_start3A_102 = tpu.memref_slice %arg4[%mul3A_100, %dma_start3A_101] : memref<20480x32xf32, #tpu.memory_space<hbm>> -> memref<640x32xf32, #tpu.memory_space<hbm>>
      %dma_start3A_103 = arith.constant 0 : i32
      %dma_start3A_104 = tpu.memref_slice %arg4[%mul3A_100, %dma_start3A_103] : memref<20480x32xf32, #tpu.memory_space<hbm>> -> memref<640x32xf32, #tpu.memory_space<hbm>>
      tpu.enqueue_dma source(%arg6 : memref<640x32xf32, #tpu.memory_space<vmem>>) target(%dma_start3A_104 : memref<640x32xf32, #tpu.memory_space<hbm>>) target_semaphore(%run_scoped3A : memref<!tpu.dma_semaphore, #tpu.memory_space<semaphore_mem>>)
      %dma_wait3A_105 = arith.constant 0 : i32
      %dma_wait3A_106 = tpu.memref_slice %arg4[%mul3A_100, %dma_wait3A_105] : memref<20480x32xf32, #tpu.memory_space<hbm>> -> memref<640x32xf32, #tpu.memory_space<hbm>>
      %dma_wait3A_107 = arith.constant 0 : i32
      %dma_wait3A_108 = tpu.memref_slice %arg4[%mul3A_100, %dma_wait3A_107] : memref<20480x32xf32, #tpu.memory_space<hbm>> -> memref<640x32xf32, #tpu.memory_space<hbm>>
      tpu.wait_dma2 semaphore(%run_scoped3A : memref<!tpu.dma_semaphore, #tpu.memory_space<semaphore_mem>>) src(%arg6 : memref<640x32xf32, #tpu.memory_space<vmem>>) dst(%dma_wait3A_108 : memref<640x32xf32, #tpu.memory_space<hbm>>)
      tpu.yield
    }) : () -> ()
    return
  }
}

module attributes {stable_mosaic.version = 14 : i64} {
  func.func @_norm_body(%arg0: i32, %arg1: memref<1024x2048xf32, #tpu.memory_space<vmem>>, %arg2: memref<1024x1xf32, #tpu.memory_space<vmem>>, %arg3: memref<1024x2048xf32, #tpu.memory_space<vmem>>) attributes {dimension_semantics = [#tpu.dimension_semantics<arbitrary>], iteration_bounds = array<i64: 49>, scalar_prefetch = 0 : i64, scratch_operands = 0 : i64, tpu.core_type = #tpu.core_type<tc>, window_params = [{transform_indices = @transform_0, window_bounds = array<i64: 1024, 2048>}, {pipeline_mode = #tpu.pipeline_mode<synchronous>, transform_indices = @transform_1, window_bounds = array<i64: 1024, 1>}, {transform_indices = @transform_2, window_bounds = array<i64: 1024, 2048>}]} {
    %get3A = arith.constant 0 : index
    %get3A_0 = arith.constant 0 : index
    %get3A_1 = vector.load %arg1[%get3A, %get3A_0] : memref<1024x2048xf32, #tpu.memory_space<vmem>>, vector<1024x2048xf32>
    %get3A_2 = arith.constant 0 : index
    %get3A_3 = arith.constant 0 : index
    %get3A_4 = vector.load %arg2[%get3A_2, %get3A_3] : memref<1024x1xf32, #tpu.memory_space<vmem>>, vector<1024x1xf32>
    %div3A = arith.constant 1.000000e+00 : f32
    %div3A_5 = vector.broadcast %div3A : f32 to vector<1024x1xf32>
    %div3A_6 = arith.divf %div3A_5, %get3A_4 : vector<1024x1xf32>
    %mul3A = vector.broadcast %div3A_6 : vector<1024x1xf32> to vector<1024x2048xf32>
    %mul3A_7 = arith.mulf %get3A_1, %mul3A : vector<1024x2048xf32>
    %swap3A = arith.constant 0 : index
    %swap3A_8 = arith.constant 0 : index
    %swap3A_9 = vector.load %arg3[%swap3A, %swap3A_8] : memref<1024x2048xf32, #tpu.memory_space<vmem>>, vector<1024x2048xf32>
    tpu.vector_store %arg3[%swap3A, %swap3A_8], %mul3A_7 {strides = array<i32>} : memref<1024x2048xf32, #tpu.memory_space<vmem>>, vector<1024x2048xf32>,
    return
  }
  func.func @transform_0(%arg0: i32) -> (i32, i32) {
    %c0_i32 = arith.constant 0 : i32
    %c0_i32_0 = arith.constant 0 : i32
    return %c0_i32, %arg0 : i32, i32
  }
  func.func @transform_1(%arg0: i32) -> (i32, i32) {
    %c0_i32 = arith.constant 0 : i32
    %c0_i32_0 = arith.constant 0 : i32
    %c0_i32_1 = arith.constant 0 : i32
    return %c0_i32, %c0_i32_0 : i32, i32
  }
  func.func @transform_2(%arg0: i32) -> (i32, i32) {
    %c0_i32 = arith.constant 0 : i32
    %c0_i32_0 = arith.constant 0 : i32
    return %c0_i32, %arg0 : i32, i32
  }
}

module attributes {stable_mosaic.version = 14 : i64} {
  func.func @_mm_exp_body(%arg0: i32, %arg1: memref<1024x640xf32, #tpu.memory_space<vmem>>, %arg2: memref<640x2048xf32, #tpu.memory_space<vmem>>, %arg3: memref<1x2048xf32, #tpu.memory_space<vmem>>, %arg4: memref<1024x2048xf32, #tpu.memory_space<vmem>>, %arg5: memref<1024x1xf32, #tpu.memory_space<vmem>>, %arg6: memref<1024x640xf32, #tpu.memory_space<vmem>>, %arg7: memref<1024x1xf32, #tpu.memory_space<vmem>>) attributes {dimension_semantics = [#tpu.dimension_semantics<arbitrary>], iteration_bounds = array<i64: 49>, scalar_prefetch = 0 : i64, scratch_operands = 2 : i64, tpu.core_type = #tpu.core_type<tc>, window_params = [{pipeline_mode = #tpu.pipeline_mode<synchronous>, transform_indices = @transform_0, window_bounds = array<i64: 1024, 640>}, {transform_indices = @transform_1, window_bounds = array<i64: 640, 2048>}, {transform_indices = @transform_2, window_bounds = array<i64: 1, 2048>}, {transform_indices = @transform_3, window_bounds = array<i64: 1024, 2048>}, {pipeline_mode = #tpu.pipeline_mode<synchronous>, transform_indices = @transform_4, window_bounds = array<i64: 1024, 1>}]} {
    %eq3A = arith.constant 0 : i32
    %eq3A_0 = arith.cmpi eq, %arg0, %eq3A : i32
    %convert_element_type3A = arith.extui %eq3A_0 : i1 to i32
    %cond3A = arith.constant 0 : i32
    %cond3A_1 = arith.cmpi ne, %convert_element_type3A, %cond3A : i32
    scf.if %cond3A_1 {
      %get3A_35 = arith.constant 0 : index
      %get3A_36 = arith.constant 0 : index
      %get3A_37 = vector.load %arg1[%get3A_35, %get3A_36] : memref<1024x640xf32, #tpu.memory_space<vmem>>, vector<1024x640xf32>
      %tanh3A = math.tanh %get3A_37 : vector<1024x640xf32>
      %swap3A_38 = arith.constant 0 : index
      %swap3A_39 = arith.constant 0 : index
      %swap3A_40 = vector.load %arg6[%swap3A_38, %swap3A_39] : memref<1024x640xf32, #tpu.memory_space<vmem>>, vector<1024x640xf32>
      tpu.vector_store %arg6[%swap3A_38, %swap3A_39], %tanh3A {strides = array<i32>} : memref<1024x640xf32, #tpu.memory_space<vmem>>, vector<1024x640xf32>,
      %broadcast_in_dim3A_41 = arith.constant 0.000000e+00 : f32
      %broadcast_in_dim3A_42 = vector.broadcast %broadcast_in_dim3A_41 : f32 to vector<1024x1xf32>
      %swap3A_43 = arith.constant 0 : index
      %swap3A_44 = arith.constant 0 : index
      %swap3A_45 = vector.load %arg7[%swap3A_43, %swap3A_44] : memref<1024x1xf32, #tpu.memory_space<vmem>>, vector<1024x1xf32>
      tpu.vector_store %arg7[%swap3A_43, %swap3A_44], %broadcast_in_dim3A_42 {strides = array<i32>} : memref<1024x1xf32, #tpu.memory_space<vmem>>, vector<1024x1xf32>,
    } else {
    }
    %get3A = arith.constant 0 : index
    %get3A_2 = arith.constant 0 : index
    %get3A_3 = vector.load %arg6[%get3A, %get3A_2] : memref<1024x640xf32, #tpu.memory_space<vmem>>, vector<1024x640xf32>
    %get3A_4 = arith.constant 0 : index
    %get3A_5 = arith.constant 0 : index
    %get3A_6 = vector.load %arg2[%get3A_4, %get3A_5] : memref<640x2048xf32, #tpu.memory_space<vmem>>, vector<640x2048xf32>
    %dot_general3A = arith.constant dense<0.000000e+00> : vector<1024x2048xf32>
    %dot_general3A_7 = tpu.matmul %get3A_3, %get3A_6, %dot_general3A {dimension_numbers = #tpu.dot_dimension_numbers<[1], [0], [0], [1], [0, 0, 1, 1], [], []>, transpose_lhs_hint = false} : vector<1024x640xf32>, vector<640x2048xf32>, vector<1024x2048xf32> -> vector<1024x2048xf32>
    %get3A_8 = arith.constant 0 : index
    %get3A_9 = arith.constant 0 : index
    %get3A_10 = vector.load %arg3[%get3A_8, %get3A_9] : memref<1x2048xf32, #tpu.memory_space<vmem>>, vector<1x2048xf32>
    %add3A = vector.broadcast %get3A_10 : vector<1x2048xf32> to vector<1024x2048xf32>
    %add3A_11 = arith.addf %dot_general3A_7, %add3A : vector<1024x2048xf32>
    %mul3A = arith.constant 2048 : i32
    %mul3A_12 = arith.muli %arg0, %mul3A : i32
    %iota3A = tpu.iota {dimensions = array<i32: 1>} : vector<1x2048xi32>
    %add3A_13 = vector.broadcast %mul3A_12 : i32 to vector<1x2048xi32>
    %add3A_14 = arith.addi %add3A_13, %iota3A : vector<1x2048xi32>
    %exp3A = math.exp %add3A_11 : vector<1024x2048xf32>
    %lt3A = arith.constant 100000 : i32
    %lt3A_15 = vector.broadcast %lt3A : i32 to vector<1x2048xi32>
    %lt3A_16 = arith.cmpi slt, %add3A_14, %lt3A_15 : vector<1x2048xi32>
    %jit3A = arith.constant 0.000000e+00 : f32
    %broadcast_in_dim3A = vector.shape_cast %lt3A_16 : vector<1x2048xi1> to vector<1x2048xi1>
    %broadcast_in_dim3A_17 = vector.broadcast %broadcast_in_dim3A : vector<1x2048xi1> to vector<1024x2048xi1>
    %broadcast_in_dim3A_18 = vector.broadcast %jit3A : f32 to vector<1024x2048xf32>
    %select_n3A = arith.select %broadcast_in_dim3A_17, %exp3A, %broadcast_in_dim3A_18 : vector<1024x2048xi1>, vector<1024x2048xf32>
    %swap3A = arith.constant 0 : index
    %swap3A_19 = arith.constant 0 : index
    %swap3A_20 = vector.load %arg4[%swap3A, %swap3A_19] : memref<1024x2048xf32, #tpu.memory_space<vmem>>, vector<1024x2048xf32>
    tpu.vector_store %arg4[%swap3A, %swap3A_19], %select_n3A {strides = array<i32>} : memref<1024x2048xf32, #tpu.memory_space<vmem>>, vector<1024x2048xf32>,
    %get3A_21 = arith.constant 0 : index
    %get3A_22 = arith.constant 0 : index
    %get3A_23 = vector.load %arg7[%get3A_21, %get3A_22] : memref<1024x1xf32, #tpu.memory_space<vmem>>, vector<1024x1xf32>
    %reduce_sum3A = arith.constant dense<0.000000e+00> : vector<1024xf32>
    %reduce_sum3A_24 = vector.multi_reduction <add>, %select_n3A, %reduce_sum3A [1] : vector<1024x2048xf32> to vector<1024xf32>
    %broadcast_in_dim3A_25 = vector.shape_cast %reduce_sum3A_24 : vector<1024xf32> to vector<1024x1xf32>
    %add3A_26 = arith.addf %get3A_23, %broadcast_in_dim3A_25 : vector<1024x1xf32>
    %swap3A_27 = arith.constant 0 : index
    %swap3A_28 = arith.constant 0 : index
    %swap3A_29 = vector.load %arg7[%swap3A_27, %swap3A_28] : memref<1024x1xf32, #tpu.memory_space<vmem>>, vector<1024x1xf32>
    tpu.vector_store %arg7[%swap3A_27, %swap3A_28], %add3A_26 {strides = array<i32>} : memref<1024x1xf32, #tpu.memory_space<vmem>>, vector<1024x1xf32>,
    %eq3A_30 = arith.constant 48 : i32
    %eq3A_31 = arith.cmpi eq, %arg0, %eq3A_30 : i32
    %convert_element_type3A_32 = arith.extui %eq3A_31 : i1 to i32
    %cond3A_33 = arith.constant 0 : i32
    %cond3A_34 = arith.cmpi ne, %convert_element_type3A_32, %cond3A_33 : i32
    scf.if %cond3A_34 {
      %get3A_35 = arith.constant 0 : index
      %get3A_36 = arith.constant 0 : index
      %get3A_37 = vector.load %arg7[%get3A_35, %get3A_36] : memref<1024x1xf32, #tpu.memory_space<vmem>>, vector<1024x1xf32>
      %swap3A_38 = arith.constant 0 : index
      %swap3A_39 = arith.constant 0 : index
      %swap3A_40 = vector.load %arg5[%swap3A_38, %swap3A_39] : memref<1024x1xf32, #tpu.memory_space<vmem>>, vector<1024x1xf32>
      tpu.vector_store %arg5[%swap3A_38, %swap3A_39], %get3A_37 {strides = array<i32>} : memref<1024x1xf32, #tpu.memory_space<vmem>>, vector<1024x1xf32>,
    } else {
    }
    return
  }
  func.func @transform_0(%arg0: i32) -> (i32, i32) {
    %c0_i32 = arith.constant 0 : i32
    %c0_i32_0 = arith.constant 0 : i32
    %c0_i32_1 = arith.constant 0 : i32
    return %c0_i32, %c0_i32_0 : i32, i32
  }
  func.func @transform_1(%arg0: i32) -> (i32, i32) {
    %c0_i32 = arith.constant 0 : i32
    %c0_i32_0 = arith.constant 0 : i32
    return %c0_i32, %arg0 : i32, i32
  }
  func.func @transform_2(%arg0: i32) -> (i32, i32) {
    %c0_i32 = arith.constant 0 : i32
    %c0_i32_0 = arith.constant 0 : i32
    return %c0_i32, %arg0 : i32, i32
  }
  func.func @transform_3(%arg0: i32) -> (i32, i32) {
    %c0_i32 = arith.constant 0 : i32
    %c0_i32_0 = arith.constant 0 : i32
    return %c0_i32, %arg0 : i32, i32
  }
  func.func @transform_4(%arg0: i32) -> (i32, i32) {
    %c0_i32 = arith.constant 0 : i32
    %c0_i32_0 = arith.constant 0 : i32
    %c0_i32_1 = arith.constant 0 : i32
    return %c0_i32, %c0_i32_0 : i32, i32
  }
}

</mosaic_0001>

<sc_bundles>
// kernel: kernel.5.cloned.1.call-start
scs
__scs_entry_jumppad:
0x0: {  	(pc) =	sbr.rel $0x88, $3  }
0x1: {  	(tag) =	ssettag $0x0;
	lr =	simm.s32 $0x1  }
0x2: {  	[smem:$0x3F9D] =	sst lr;
	_ =	strace $0xD0000000  }
0x3: {  	_ = 	snop  }
0x4: {  	_ = 	snop  }
0x5: {  	_ = 	snop  }
0x6: {  	_ = 	snop  }
0x7: {  	_ = 	snop  }
__scs_overlays_trampoline_lowered:
0x8: {  	[smem:$0x3FAC] =	sst s0  }
0x9: {  	[smem:$0x3FAD] =	sst s1  }
0xa: {  	[smem:$0x3FAE] =	sst s2  }
0xb: {  	[smem:$0x3FAF] =	sst s3  }
0xc: {  	[smem:$0x3FB0] =	sst s4  }
0xd: {  	[smem:$0x3FB1] =	sst s5  }
0xe: {  	[smem:$0x3FB2] =	sst s6  }
0xf: {  	[smem:$0x3FB3] =	sst s7  }
0x10: {  	[smem:$0x3FB4] =	sst s8  }
0x11: {  	[smem:$0x3FB5] =	sst s9;
	s0 =	simm.s32 @!p0 $0x0  }
0x12: {  	s1 =	sld [smem:$0x3F9B];
	s0 =	simm.s32 @p0 $0x1  }
0x13: {  	[smem:$0x3FB6] =	sst s0;
	s0 =	simm.s32 @!p1 $0x0  }
0x14: {  	s2 =	sld [smem:$0x3F9A];
	s0 =	simm.s32 @p1 $0x1  }
0x15: {  	[smem:$0x3FB7] =	sst s0;
	s0 =	simm.s32 @!p2 $0x0  }
0x16: {  	s3 =	sld [smem:$0x3FDB];
	s0 =	simm.s32 @p2 $0x1  }
0x17: {  	s4 =	simm.s32 $0x1BF5;
	[smem:$0x3FB9] =	sst s0  }
0x18: {  	s0 =	sld [smem:$0x3F9C];
	_ =	swait.ge [sflag:s4], $0x0  }
0x19: {  	s7 =	sld [smem:$0x3F9D]  }
0x1a: {  	s8 =	sadd.s32 $0xFFFFE003, lr  }
0x1b: {  	s9 =	sadd.s32 $0xFFFFFEF7, lr;
	s5 =	simm.s32 $0xFFFFFFFF;
	p2 =	slt.u32 s8, $0xFFFFF086  }
0x1c: {  	p1 =	slt.u32 s9, $0xF7A;
	s5 =	simm.s32 @!p2 $0x0  }
0x1d: {  	s5 =	simm.s32 @p1 $0x1;
	p0 =	seq.s32 s7, s2  }
0x1e: {  	s7 =	smul.u32 @!p0 $0xF7A, s2;
	p2 =	seq.s32 @!p0 s5, $0x0  }
0x1f: {  	s9 =	smul.u32 $0xF7A, s1;
	s8 =	simm.s32 @!p0 $0x1BF5;
	p2 =	por !p2, p0  }
0x20: {  	[sflag:s8] =	ssyncset.s32 @!p0 $0xFFFFF086;
	s6 =	sadd.s32 @!p0 s3, s7;
	s7 =	simm.s32 @!p0 $0x108  }
0x21: {  	s3 =	sadd.s32 s3, s9;
	s6 =	sadd.s32 @!p0 $0x88, s6;
	s7 =	simm.s32 @p2 $0x1082  }
0x22: {  	[simem:s7], [sflag:s8] =	dma.local @!p0 [hbm:s6], $0xF7A  }
0x23: {  	s9 =	sor.u32 $0xD0000000, s2;
	s6 =	simm.s32 $0x108;
	_ =	swait.ge @!p0 [sflag:s8], $0x0  }
0x24: {  	s3 =	sadd.s32 $0x88, s3;
	s6 =	simm.s32 @!p1 $0x1082;
	[sflag:s4] =	ssyncset.s32 $0xFFFFF086  }
0x25: {  	[simem:s6], [sflag:s4] =	dma.local [hbm:s3], $0xF7A  }
0x26: {  	[smem:$0x3F9D] =	sst s1;
	(tag) =	ssettag s2;
	_ =	strace s9  }
0x27: {  	s1 =	sld [smem:$0x3FAD]  }
0x28: {  	s2 =	sld [smem:$0x3FAE]  }
0x29: {  	s4 =	sld [smem:$0x3FB0]  }
0x2a: {  	p0 =	seq.s32 s5, $0x0;
	s5 =	sld [smem:$0x3FB1]  }
0x2b: {  	s6 =	sld [smem:$0x3FB2]  }
0x2c: {  	s7 =	sld [smem:$0x3FB3]  }
0x2d: {  	s3 =	simm.s32 $0x108;
	s8 =	sld [smem:$0x3FB4]  }
0x2e: {  	s3 =	simm.s32 @!p0 $0x1082;
	s9 =	sld [smem:$0x3FB5]  }
0x2f: {  	lr =	sadd.s32 s0, s3;
	s0 =	sld [smem:$0x3FAC]  }
0x30: {  	s3 =	sld [smem:$0x3FAF]  }
0x31: {  	[smem:$0x3FB8] =	sst s10  }
0x32: {  	s10 =	sld [smem:$0x3FB6];
	_ =	sdelay $0x3  }
0x33: {  	p0 =	seq.s32 s10, $0x1;
	s10 =	sld [smem:$0x3FB8];
	_ =	sdelay $0x3  }
0x34: {  	[smem:$0x3FB8] =	sst s10  }
0x35: {  	s10 =	sld [smem:$0x3FB7];
	_ =	sdelay $0x3  }
0x36: {  	p1 =	seq.s32 s10, $0x1;
	s10 =	sld [smem:$0x3FB8];
	_ =	sdelay $0x3  }
0x37: {  	[smem:$0x3FB8] =	sst s10  }
0x38: {  	s10 =	sld [smem:$0x3FB9]  }
0x39: {  	_ = 	snop;
	(pc) =	sbr.ind lr, $3  }
0x3a: {  	_ = 	snop  }
0x3b: {  	_ = 	snop  }
0x3c: {  	p2 =	seq.s32 s10, $0x1;
	s10 =	sld [smem:$0x3FB8]  }
0x3d: {  	_ =	shalt  }
0x3e: {  	_ =	shalt  }
0x3f: {  	_ =	shalt  }
0x40: {  	_ =	shalt  }
0x41: {  	_ =	shalt  }
0x42: {  	_ =	shalt  }
0x43: {  	_ =	shalt  }
0x44: {  	_ =	shalt  }
0x45: {  	_ =	shalt  }
0x46: {  	_ =	shalt  }
0x47: {  	_ =	shalt  }
0x48: {  	_ =	shalt  }
0x49: {  	_ =	shalt  }
0x4a: {  	_ =	shalt  }
0x4b: {  	_ =	shalt  }
0x4c: {  	_ =	shalt  }
0x4d: {  	_ =	shalt  }
0x4e: {  	_ =	shalt  }
0x4f: {  	_ =	shalt  }
0x50: {  	_ =	shalt  }
0x51: {  	_ =	shalt  }
0x52: {  	_ =	shalt  }
0x53: {  	_ =	shalt  }
0x54: {  	_ =	shalt  }
0x55: {  	_ =	shalt  }
0x56: {  	_ =	shalt  }
0x57: {  	_ =	shalt  }
0x58: {  	_ =	shalt  }
0x59: {  	_ =	shalt  }
0x5a: {  	_ =	shalt  }
0x5b: {  	_ =	shalt  }
0x5c: {  	_ =	shalt  }
0x5d: {  	_ =	shalt  }
0x5e: {  	_ =	shalt  }
0x5f: {  	_ =	shalt  }
0x60: {  	_ =	shalt  }
0x61: {  	_ =	shalt  }
0x62: {  	_ =	shalt  }
0x63: {  	_ =	shalt  }
0x64: {  	_ =	shalt  }
0x65: {  	_ =	shalt  }
0x66: {  	_ =	shalt  }
0x67: {  	_ =	shalt  }
0x68: {  	_ =	shalt  }
0x69: {  	_ =	shalt  }
0x6a: {  	_ =	shalt  }
0x6b: {  	_ =	shalt  }
0x6c: {  	_ =	shalt  }
0x6d: {  	_ =	shalt  }
0x6e: {  	_ =	shalt  }
0x6f: {  	_ =	shalt  }
0x70: {  	_ =	shalt  }
0x71: {  	_ =	shalt  }
0x72: {  	_ =	shalt  }
0x73: {  	_ =	shalt  }
0x74: {  	_ =	shalt  }
0x75: {  	_ =	shalt  }
0x76: {  	_ =	shalt  }
0x77: {  	_ =	shalt  }
0x78: {  	_ =	shalt  }
0x79: {  	_ =	shalt  }
0x7a: {  	_ =	shalt  }
0x7b: {  	_ =	shalt  }
0x7c: {  	_ =	shalt  }
0x7d: {  	_ =	shalt  }
0x7e: {  	_ =	shalt  }
0x7f: {  	_ =	shalt  }
0x80: {  	_ =	shalt  }
0x81: {  	_ =	shalt  }
0x82: {  	_ =	shalt  }
0x83: {  	_ =	shalt  }
0x84: {  	_ =	shalt  }
0x85: {  	_ =	shalt  }
0x86: {  	_ =	shalt  }
0x87: {  	_ =	shalt  }
.Lfunc_end0:
.L_simem_size_0:
called_computation_lowered:
.L_overlay_start_0:
0x88: {  	s2 =	sld [smem:$0x3FD9]  }
0x89: {  	s3 =	sld [smem:$0x3FFE];
	_ =	sdelay $0x1  }
0x8a: {  	s1 =	srdreg.scid  }
0x8b: {  	s0 =	sand.u32 $0x1, s1  }
0x8c: {  	s16 =	sshll.u32 s0, $0xA;
	s2 =	sadd.s32 s3, s2  }
0x8d: {  	s2 =	sadd.s32 s2, s16  }
0x8e: {  	[smem:$0x3FC4] =	sst s2  }
0x8f: {  	_ = 	snop  }
0x90: {  	(tm) =	ssettm $0x1  }
0x91: {  	s17 =	sld [smem:$0x3FFB];
	_ =	sdelay $0x3  }
0x92: {  	_ =	strace s17  }
0x93: {  	s2 =	sld [smem:$0x3FFC];
	_ =	sdelay $0x3  }
0x94: {  	_ =	strace s2  }
0x95: {  	s2 =	sld [smem:$0x3FFD];
	_ =	sdelay $0x3  }
0x96: {  	_ =	strace s2  }
0x97: {  	_ =	strace $0x8FFFFFFF  }
0x98: {  	s18 =	sld [smem:$0x3FDB];
	_ =	sdelay $0x1  }
0x99: {  	s19 =	simm.s32 $_scs_section_size  }
0x9a: {  	s4 =	simm.s32 $_size__tile_overlayer_lowered;
	s5 =	simm.s32 $_tile_overlayer_lowered  }
0x9b: {  	s22 =	simm.s32 $0x1BFF;
	s21 =	sshll.u32 s5, $0x1;
	s2 =	sadd.s32 s19, s18  }
0x9c: {  	s6 =	simm.s32 $0x0;
	s20 =	sshll.u32 s4, $0x1;
	s4 =	sadd.s32 s21, s2  }
0x9d: {  	[timem:s6], [sflag:s22] =	dma.local [hbm:s4], s20  }
0x9e: {  	_ =	swait.ge [sflag:s22], s20  }
0x9f: {  	s3 =	ssub.s32 $0x0, s20;
	[sflag:s22] =	ssyncset.done $0x0  }
0xa0: {  	[sflag:s22] =	ssyncadd.s32 s3;
	_ =	sdelay $0x1  }
0xa1: {  	s23 =	simm.s32 $0x1B8B  }
0xa2: {  	_ =	swait.ge [sflag:s23], $0x1  }
0xa3: {  	[sflag:s23] =	ssyncset.done $0x0  }
0xa4: {  	s25 =	simm.s32 $0x1B8E;
	s24 =	sld [smem:$0x3FFE];
	[sflag:s23] =	ssyncadd.s32 $0xFFFFFFFF  }
0xa5: {  	s26 =	simm.s32 $execute0_lowered;
	[smem:$0x3FD2] =	sst s25  }
0xa6: {  	s4 =	sshll.u32 s26, $0x1;
	_ =	strace $0x80000046;
	[dreg:$0x1] =	wrdreg $0xFFFFFFFF  }
0xa7: {  	s28 =	simm.s32 $_size_execute0_lowered;
	s2 =	sadd.s32 s2, s4;
	[dreg:$0x0] =	wrdreg $0x0  }
0xa8: {  	s4 =	sshll.u32 s28, $0x1;
	[dreg:$0x2] =	wrdreg s2  }
0xa9: {  	[dreg:$0x3] =	wrdreg s4  }
0xaa: {  	[dreg:$0x4] =	wrdreg $0xC0  }
0xab: {  	_ =	task [dreg:s6], $0x5FFFF  }
0xac: {  	[dreg:$0x1] =	wrdreg $0xFFFFFFFF  }
0xad: {  	[dreg:$0x0] =	wrdreg $0x60  }
0xae: {  	[dreg:$0x2] =	wrdreg s24  }
0xaf: {  	[dreg:$0x3] =	wrdreg $0x9  }
0xb0: {  	_ =	task.clear_ibuf [dreg:s6], $0x4FFFF;
	_ =	strace $0x90000046  }
0xb1: {  	s29 =	simm.s32 $0x9;
	_ =	strace $0x80000048  }
0xb2: {  	_ =	swait.ge [sflag:s29], $0x1  }
0xb3: {  	[sflag:s29] =	ssyncadd.s32 $0xFFFFFFFF  }
0xb4: {  	_ =	strace $0x90000048  }
0xb5: {  	_ =	sfence  }
0xb6: {  	s30 =	sld [smem:$0x0];
	_ =	sdelay $0x2  }
0xb7: {  	s31 =	sshll.u32 s1, $0xD;
	s1 =	sshrl.u32 s1, $0x2  }
0xb8: {  	s3 =	sand.u32 $0x4000, s31;
	s1 =	sadd.s32 s1, s30  }
0xb9: {  	s0 =	sor.u32 s3, s0;
	s1 =	sshll.u32 s1, $0x11  }
0xba: {  	s0 =	sor.u32 s1, s0  }
0xbb: {  	s0 =	sadd.s32 $0x8F2B, s0  }
0xbc: {  	[sflag:s0] =	ssyncadd.remote.s32 $0x1  }
0xbd: {  	_ =	sfence.sel $0xFFFF  }
0xbe: {  	[dreg:$0x0] =	wrdreg $0xFFFFFFFF;
	(pc) =	sbr.abs _section_cstart, $3  }
0xbf: {  	[dreg:$0x1] =	wrdreg $0xFFFFFFFF  }
0xc0: {  	_ =	task.clear_ibuf [dreg:s6], $0x2FFFF;
	_ =	strace $0x9FFFFFFF  }
0xc1: {  	(tm) =	ssettm $0x7FFFFFFF  }
tec
execute0_lowered:
.L_overlay_start_1:
0x0: {  	(tag) =	ssettag $0x1  }
0x1: {  	s1 =	srdreg.scid;
	s0 =	stileid.u32  }
0x2: {  	s14 =	sand.u32 $0x1, s1;
	s30 =	sshll.u32 s0, $0x1  }
0x3: {  	s15 =	sor.u32 s14, s30  }
0x4: {  	s16 =	rddreg [dreg:$0x0];
	s3 =	smul.u32 $0x50, s15  }
0x5: {  	s2 =	simm.s32 $0x0;
	s1 =	rddreg [dreg:$0x1]  }
0x6: {  	[smem:$0x7FF] =	sst s2;
	s3 =	sadd.s32 s3, s16  }
0x7: {  	_ =	strace $0x80000047;
	s4 =	sadd.s32 $0x600, s3;
	s3 =	simm.s32 $0x2  }
0x8: {  	[tilespmem:s2], [sflag:$0x2] =	stream.linear.gather [hbm4b:s4+s2], $0x280, $0x38;
	[tilespmem:$0x5280] =	vst v63  }
0x9: {  	_ =	swait.ge [sflag:s3], $0x280  }
0xa: {  	s6 =	simm.s32 $0x80;
	s7 =	simm.s32 $0x280;
	[sflag:s3] =	ssyncset.done $0x0  }
0xb: {  	s8 =	simm.s32 $0x1;
	s5 =	sadd.s32 $0x1000, s16;
	[sflag:s3] =	ssyncadd.s32 $0xFFFFFD80  }
0xc: {  	[tilespmem:s7], [sflag:$0x1] =	stream.indirect.gather [hbm4b:s5+s6], $0x20, s2, s6, $0xb8;
	[tilespmem:$0x5280] =	vst v63  }
0xd: {  	_ =	swait.ge [sflag:s8], $0x1000  }
0xe: {  	[sflag:s8] =	ssyncset.done $0x0  }
0xf: {  	s9 =	simm.s32 $0x1280;
	[sflag:s8] =	ssyncadd.s32 $0xFFFFF000  }
0x10: {  	[tilespmem:s9], [sflag:$0x1] =	stream.indirect.gather [hbm4b:s5+s6], $0x20, s6, s6, $0xb8;
	[tilespmem:$0x5280] =	vst v63  }
0x11: {  	_ =	swait.ge [sflag:s8], $0x1000  }
0x12: {  	[sflag:s8] =	ssyncset.done $0x0  }
0x13: {  	s10 =	simm.s32 $0x100;
	s11 =	simm.s32 $0x2280;
	[sflag:s8] =	ssyncadd.s32 $0xFFFFF000  }
0x14: {  	[tilespmem:s11], [sflag:$0x1] =	stream.indirect.gather [hbm4b:s5+s6], $0x20, s10, s6, $0xb8;
	[tilespmem:$0x5280] =	vst v63  }
0x15: {  	_ =	swait.ge [sflag:s8], $0x1000  }
0x16: {  	s12 =	simm.s32 $0x180;
	s13 =	simm.s32 $0x3280;
	[sflag:s8] =	ssyncset.done $0x0  }
0x17: {  	s18 =	ssub.s32 $0x2, s14;
	s14 =	simm.s32 $0x200;
	[sflag:s8] =	ssyncadd.s32 $0xFFFFF000  }
0x18: {  	[tilespmem:s13], [sflag:$0x1] =	stream.indirect.gather [hbm4b:s5+s6], $0x20, s12, s6, $0xb8;
	[tilespmem:$0x5280] =	vst v63  }
0x19: {  	s17 =	smul.u32 $0xA00, s15;
	s19 =	sshrl.u32 s18, $0x1;
	_ =	swait.ge [sflag:s8], $0x1000  }
0x1a: {  	s15 =	simm.s32 $0x4280;
	s31 =	ssub.s32 s18, s19;
	[sflag:s8] =	ssyncset.done $0x0  }
0x1b: {  	s16 =	sadd.s32 s17, s16;
	s17 =	smax.u32 s31, $0x1;
	[sflag:s8] =	ssyncadd.s32 $0xFFFFF000  }
0x1c: {  	[tilespmem:s15], [sflag:$0x1] =	stream.indirect.gather [hbm4b:s5+s6], $0x20, s14, s6, $0xb8;
	[tilespmem:$0x5280] =	vst v63  }
0x1d: {  	p0 =	sne.s32 s17, $0x1;
	_ =	swait.ge [sflag:s8], $0x1000  }
.Ltmp0:
0x1e: {  	[sflag:s8] =	ssyncset.done $0x0;
	(pc) =	sbr.rel @!p0 .LBB2_2-.Ltmp0, $4  }
0x1f: {  	s16 =	sadd.s32 $0x62C00, s16;
	[sflag:s8] =	ssyncadd.s32 $0xFFFFF000  }
0x20: {  	[hbm4b:s16+s2] =	stream.linear.scatter [tilespmem:s7], [sflag:$0x2], $0x5000, $0x38;
	[tilespmem:$0x5280] =	vst v63  }
0x21: {  	_ =	swait.ge [sflag:s3], $0x5000  }
0x22: {  	s17 =	sadd.s32 $0xFFFFFFFF, s17;
	[sflag:s3] =	ssyncset.done $0x0  }
.LBB2_1:
0x23: {  	p0 =	sne.s32 s17, $0x1;
	s17 =	sadd.s32 $0xFFFFFFFF, s17;
	[sflag:s3] =	ssyncadd.s32 $0xFFFFB000  }
0x24: {  	[tilespmem:s2], [sflag:$0x2] =	stream.linear.gather [hbm4b:s4+s2], $0x280, $0x38;
	[tilespmem:$0x5280] =	vst v63  }
0x25: {  	_ =	swait.ge [sflag:s3], $0x280  }
0x26: {  	[sflag:s3] =	ssyncset.done $0x0  }
0x27: {  	[sflag:s3] =	ssyncadd.s32 $0xFFFFFD80  }
0x28: {  	[tilespmem:s7], [sflag:$0x1] =	stream.indirect.gather [hbm4b:s5+s6], $0x20, s2, s6, $0xb8;
	[tilespmem:$0x5280] =	vst v63  }
0x29: {  	_ =	swait.ge [sflag:s8], $0x1000  }
0x2a: {  	[sflag:s8] =	ssyncset.done $0x0  }
0x2b: {  	[sflag:s8] =	ssyncadd.s32 $0xFFFFF000  }
0x2c: {  	[tilespmem:s9], [sflag:$0x1] =	stream.indirect.gather [hbm4b:s5+s6], $0x20, s6, s6, $0xb8;
	[tilespmem:$0x5280] =	vst v63  }
0x2d: {  	_ =	swait.ge [sflag:s8], $0x1000  }
0x2e: {  	[sflag:s8] =	ssyncset.done $0x0  }
0x2f: {  	[sflag:s8] =	ssyncadd.s32 $0xFFFFF000  }
0x30: {  	[tilespmem:s11], [sflag:$0x1] =	stream.indirect.gather [hbm4b:s5+s6], $0x20, s10, s6, $0xb8;
	[tilespmem:$0x5280] =	vst v63  }
0x31: {  	_ =	swait.ge [sflag:s8], $0x1000  }
0x32: {  	[sflag:s8] =	ssyncset.done $0x0  }
0x33: {  	[sflag:s8] =	ssyncadd.s32 $0xFFFFF000  }
0x34: {  	[tilespmem:s13], [sflag:$0x1] =	stream.indirect.gather [hbm4b:s5+s6], $0x20, s12, s6, $0xb8;
	[tilespmem:$0x5280] =	vst v63  }
0x35: {  	_ =	swait.ge [sflag:s8], $0x1000  }
0x36: {  	[sflag:s8] =	ssyncset.done $0x0  }
0x37: {  	[sflag:s8] =	ssyncadd.s32 $0xFFFFF000  }
0x38: {  	[tilespmem:s15], [sflag:$0x1] =	stream.indirect.gather [hbm4b:s5+s6], $0x20, s14, s6, $0xb8;
	[tilespmem:$0x5280] =	vst v63  }
0x39: {  	_ =	swait.ge [sflag:s8], $0x1000  }
.Ltmp1:
0x3a: {  	[sflag:s8] =	ssyncset.done $0x0;
	(pc) =	sbr.rel @p0 .LBB2_1-.Ltmp1, $4  }
0x3b: {  	[sflag:s8] =	ssyncadd.s32 $0xFFFFF000  }
0x3c: {  	[hbm4b:s16+s2] =	stream.linear.scatter [tilespmem:s7], [sflag:$0x2], $0x5000, $0x38;
	[tilespmem:$0x5280] =	vst v63  }
0x3d: {  	_ =	swait.ge [sflag:s3], $0x5000  }
0x3e: {  	[sflag:s3] =	ssyncset.done $0x0  }
.LBB2_2:
0x3f: {  	[sflag:s3] =	ssyncadd.s32 $0xFFFFB000  }
0x40: {  	_ =	sfence.sel $0x180000  }
0x41: {  	[bflag:$0x0] =	sbarrier.arrive $0xFFFF  }
0x42: {  	p0 =	sne.s32 s0, $0x0;
	_ =	strace $0x90000047  }
0x43: {  	s0 =	sadd.s32 @!p0 $0x100000, s1;
	[bflag:$0x2] =	sbarrier.arrive $0xFFFF  }
0x44: {  	[sflag:s0] =	ssyncadd.tile.s32 @!p0 $0x1;
	_ =	shalt  }
.Lfunc_end2:
_tile_overlayer_lowered:
.L_overlay_start_2:
0x45: {  	(tag) =	ssettag $0x2  }
0x46: {  	s0 =	rddreg [dreg:$0x0];
	s2 =	stileid.u32  }
0x47: {  	s1 =	rddreg [dreg:$0x1];
	p0 =	sne.s32 s2, $0x0  }
0x48: {  	s3 =	rddreg [dreg:$0x2];
	[bflag:$0x3] =	sbarrier.arrive $0xFFFF;
	s2 =	simm.s32 @!p0 $0x1C02  }
0x49: {  	[timem:s3], [sflag:s2] =	dma.local @!p0 [hbm:s0], s1  }
0x4a: {  	s0 =	simm.s32 @!p0 $0x2  }
0x4b: {  	_ =	swait.ge @!p0 [sflag:s0], s1  }
0x4c: {  	s1 =	ssub.s32 @!p0 $0x0, s1;
	[sflag:s0] =	ssyncset.done @!p0 $0x0  }
0x4d: {  	[sflag:s0] =	ssyncadd.s32 @!p0 s1  }
0x4e: {  	[bflag:$0x3] =	sbarrier.arrive $0xFFFF  }
0x4f: {  	_ =	shalt  }

</sc_bundles>
